<compile_context>
chip_gen: v7x
topology: tpu7x:2x2x1
jax: 0.10.2.dev20260603
libtpu: 0.0.44.dev20260713+nightly
codegen_flags: <defaults>
</compile_context>

<pallas_src>
import jax
import jax.numpy as jnp
from jax import lax
from jax.experimental import pallas as pl
from jax.experimental.pallas import tpu as pltpu

_B, _H, _W, _C = 16, 32, 32, 256
_PL = _H * _W
_SR = 2 * _C * (_PL // 128)


def _body(row_ref, col_ref, pose_ref, pemb_ref, m_ref, slab_ref):
    b = pl.program_id(0)

    @pl.when(b == 0)
    def _():
        pv = pose_ref[0:1, :]
        prow = jnp.concatenate([pv, pv], axis=1)
        pemb_ref[...] = jnp.broadcast_to(prow, (_B, 2 * _C))

        lane = lax.broadcasted_iota(jnp.int32, (_H, 128), 1)
        k = lax.broadcasted_iota(jnp.int32, (_H, 128), 0)
        cdims = (((0,), (0,)), ((), ()))

        tsel = (lane % _W == k).astype(jnp.float32)
        csl = col_ref[pl.ds(1, _W), :]
        d = lax.dot_general(csl, tsel, cdims,
                            preferred_element_type=jnp.float32)
        colE = jnp.broadcast_to(d[:, None, :], (_C, 8, 128)).reshape(_C * 8, 128)

        rsl = row_ref[pl.ds(1, _H), :]
        parts = []
        for s in range(8):
            rsel = (lane // _W + 4 * s == k).astype(jnp.float32)
            parts.append(lax.dot_general(rsl, rsel, cdims,
                                         preferred_element_type=jnp.float32))
        rowE = jnp.concatenate([p[:, None, :] for p in parts],
                               axis=1).reshape(_C * 8, 128)

        slab_ref[...] = jnp.concatenate([colE, rowE], axis=0)

    m_ref[...] = slab_ref[...][None]


def kernel(x, row_embed, col_embed, pose_token_embed):
    del x
    p_emb, m3 = pl.pallas_call(
        _body,
        grid=(_B,),
        in_specs=[
            pl.BlockSpec(row_embed.shape, lambda b: (0, 0)),
            pl.BlockSpec(col_embed.shape, lambda b: (0, 0)),
            pl.BlockSpec(pose_token_embed.shape, lambda b: (0, 0)),
        ],
        out_specs=[
            pl.BlockSpec((_B, 2 * _C), lambda b: (0, 0)),
            pl.BlockSpec((1, _SR, 128), lambda b: (b, 0, 0)),
        ],
        out_shape=[
            jax.ShapeDtypeStruct((_B, 2 * _C), jnp.float32),
            jax.ShapeDtypeStruct((_B, _SR, 128), jnp.float32),
        ],
        scratch_shapes=[pltpu.VMEM((_SR, 128), jnp.float32)],
    )(row_embed, col_embed, pose_token_embed)
    m_emb = m3.reshape(_B, 2 * _C, _H, _W)
    return (p_emb, m_emb)

# --- scband reference (transcript-rebuilt; emitter-appended) ---
"""Pipeline reference for scband-position-embedding-learned-with-pose-token-31542239822304 (READ-ONLY COPY).

The authoritative reference and input builder live on the scoring server;
editing this copy changes nothing except your own understanding.
"""

import jax, jax.numpy as jnp
import numpy as np


def setup_inputs(seed: int = 0) -> dict:
    key = jax.random.key(seed)
    k1, k2, k3, k4 = jax.random.split(key, 4)
    x = jax.random.normal(k1, (16, 384, 32, 32), dtype=jnp.float32)
    row_embed = jax.random.uniform(k2, (60, 256), dtype=jnp.float32)
    col_embed = jax.random.uniform(k3, (60, 256), dtype=jnp.float32)
    pose_token_embed = jax.random.uniform(k4, (60, 256), dtype=jnp.float32)
    return {"x": x, "row_embed": row_embed, "col_embed": col_embed, "pose_token_embed": pose_token_embed}


def reference(x, row_embed, col_embed, pose_token_embed):
    B = x.shape[0]
    h, w = x.shape[-2], x.shape[-1]
    i = jnp.arange(w) + 1
    j = jnp.arange(h) + 1
    p = i[0] - 1
    x_emb = jnp.take(col_embed, i, axis=0)
    y_emb = jnp.take(row_embed, j, axis=0)
    p_vec = jnp.take(pose_token_embed, p, axis=0)
    p_emb = jnp.tile(jnp.concatenate([p_vec, p_vec], axis=0)[None, :], (B, 1))
    m = jnp.concatenate([
        jnp.tile(x_emb[None, :, :], (h, 1, 1)),
        jnp.tile(y_emb[:, None, :], (1, w, 1)),
    ], axis=-1)
    m_emb = jnp.tile(jnp.transpose(m, (2, 0, 1))[None, :, :, :], (B, 1, 1, 1))
    return (p_emb, m_emb)

if __name__ == "__main__":
    import jax
    _d = setup_inputs()
    print(jax.jit(kernel)(*tuple(_d.values())))

</pallas_src>

<mosaic_0001>
module attributes {stable_mosaic.version = 14 : i64} {
  func.func @_body(%arg0: i32, %arg1: memref<60x256xf32, #tpu.memory_space<vmem>>, %arg2: memref<60x256xf32, #tpu.memory_space<vmem>>, %arg3: memref<60x256xf32, #tpu.memory_space<vmem>>, %arg4: memref<16x512xf32, #tpu.memory_space<vmem>>, %arg5: memref<1x4096x128xf32, #tpu.memory_space<vmem>>, %arg6: memref<4096x128xf32, #tpu.memory_space<vmem>>) attributes {dimension_semantics = [#tpu.dimension_semantics<arbitrary>], iteration_bounds = array<i64: 16>, scalar_prefetch = 0 : i64, scratch_operands = 1 : i64, tpu.core_type = #tpu.core_type<tc>, window_params = [{pipeline_mode = #tpu.pipeline_mode<synchronous>, transform_indices = @transform_0, window_bounds = array<i64: 60, 256>}, {pipeline_mode = #tpu.pipeline_mode<synchronous>, transform_indices = @transform_1, window_bounds = array<i64: 60, 256>}, {pipeline_mode = #tpu.pipeline_mode<synchronous>, transform_indices = @transform_2, window_bounds = array<i64: 60, 256>}, {pipeline_mode = #tpu.pipeline_mode<synchronous>, transform_indices = @transform_3, window_bounds = array<i64: 16, 512>}, {transform_indices = @transform_4, window_bounds = array<i64: 1, 4096, 128>}]} {
    %eq3A = arith.constant 0 : i32
    %eq3A_0 = arith.cmpi eq, %arg0, %eq3A : i32
    %convert_element_type3A = arith.extui %eq3A_0 : i1 to i32
    %cond3A = arith.constant 0 : i32
    %cond3A_1 = arith.cmpi ne, %convert_element_type3A, %cond3A : i32
    scf.if %cond3A_1 {
      %get3A_7 = arith.constant 0 : index
      %get3A_8 = arith.constant 0 : index
      %get3A_9 = vector.load %arg3[%get3A_7, %get3A_8] : memref<60x256xf32, #tpu.memory_space<vmem>>, vector<1x256xf32>
      %concatenate3A = tpu.concatenate %get3A_9, %get3A_9 in 1 : vector<1x256xf32>, vector<1x256xf32> -> vector<1x512xf32>
      %broadcast_in_dim3A_10 = vector.shape_cast %concatenate3A : vector<1x512xf32> to vector<1x512xf32>
      %broadcast_in_dim3A_11 = vector.broadcast %broadcast_in_dim3A_10 : vector<1x512xf32> to vector<16x512xf32>
      %swap3A_12 = arith.constant 0 : index
      %swap3A_13 = arith.constant 0 : index
      %swap3A_14 = vector.load %arg4[%swap3A_12, %swap3A_13] : memref<16x512xf32, #tpu.memory_space<vmem>>, vector<16x512xf32>
      tpu.vector_store %arg4[%swap3A_12, %swap3A_13], %broadcast_in_dim3A_11 {strides = array<i32>} : memref<16x512xf32, #tpu.memory_space<vmem>>, vector<16x512xf32>,
      %iota3A = tpu.iota {dimensions = array<i32: 1>} : vector<32x128xi32>
      %iota3A_15 = tpu.iota {dimensions = array<i32: 0>} : vector<32x128xi32>
      %jit3A = arith.constant 32 : i32
      %eq3A_16 = arith.constant 0 : i32
      %eq3A_17 = arith.cmpi eq, %jit3A, %eq3A_16 : i32
      %jit3A_18 = arith.constant 1 : i32
      %select_n3A = arith.select %eq3A_17, %jit3A_18, %jit3A : i32
      %rem3A = vector.broadcast %select_n3A : i32 to vector<32x128xi32>
      %rem3A_19 = arith.remsi %iota3A, %rem3A : vector<32x128xi32>
      %ne3A = arith.constant 0 : i32
      %ne3A_20 = vector.broadcast %ne3A : i32 to vector<32x128xi32>
      %ne3A_21 = arith.cmpi ne, %rem3A_19, %ne3A_20 : vector<32x128xi32>
      %lt3A = arith.constant 0 : i32
      %lt3A_22 = vector.broadcast %lt3A : i32 to vector<32x128xi32>
      %lt3A_23 = arith.cmpi slt, %rem3A_19, %lt3A_22 : vector<32x128xi32>
      %lt3A_24 = arith.constant 0 : i32
      %lt3A_25 = arith.cmpi slt, %select_n3A, %lt3A_24 : i32
      %ne3A_26 = vector.broadcast %lt3A_25 : i1 to vector<32x128xi1>
      %ne3A_27 = vector.broadcast %ne3A_26 : vector<32x128xi1> to vector<32x128xi1>
      %ne3A_28 = arith.xori %lt3A_23, %ne3A_27 : vector<32x128xi1>
      %and3A = arith.andi %ne3A_28, %ne3A_21 : vector<32x128xi1>
      %add3A = vector.broadcast %select_n3A : i32 to vector<32x128xi32>
      %add3A_29 = arith.addi %rem3A_19, %add3A : vector<32x128xi32>
      %select_n3A_30 = arith.select %and3A, %add3A_29, %rem3A_19 : vector<32x128xi1>, vector<32x128xi32>
      %eq3A_31 = arith.cmpi eq, %select_n3A_30, %iota3A_15 : vector<32x128xi32>
      %convert_element_type3A_32 = arith.extui %eq3A_31 : vector<32x128xi1> to vector<32x128xi32>
      %convert_element_type3A_33 = arith.sitofp %convert_element_type3A_32 : vector<32x128xi32> to vector<32x128xf32>
      %get3A_34 = arith.constant 1 : index
      %get3A_35 = arith.constant 0 : index
      %get3A_36 = vector.load %arg2[%get3A_34, %get3A_35] : memref<60x256xf32, #tpu.memory_space<vmem>>, vector<32x256xf32>
      %dot_general3A = arith.constant dense<0.000000e+00> : vector<256x128xf32>
      %dot_general3A_37 = tpu.matmul %get3A_36, %convert_element_type3A_33, %dot_general3A {dimension_numbers = #tpu.dot_dimension_numbers<[0], [0], [1], [1], [0, 1, 1, 1], [], []>, transpose_lhs_hint = false} : vector<32x256xf32>, vector<32x128xf32>, vector<256x128xf32> -> vector<256x128xf32>
      %broadcast_in_dim3A_38 = vector.shape_cast %dot_general3A_37 : vector<256x128xf32> to vector<256x1x128xf32>
      %broadcast_in_dim3A_39 = vector.shape_cast %broadcast_in_dim3A_38 : vector<256x1x128xf32> to vector<256x1x128xf32>
      %broadcast_in_dim3A_40 = vector.broadcast %broadcast_in_dim3A_39 : vector<256x1x128xf32> to vector<256x8x128xf32>
      %reshape3A = vector.shape_cast %broadcast_in_dim3A_40 : vector<256x8x128xf32> to vector<2048x128xf32>
      %get3A_41 = arith.constant 1 : index
      %get3A_42 = arith.constant 0 : index
      %get3A_43 = vector.load %arg1[%get3A_41, %get3A_42] : memref<60x256xf32, #tpu.memory_space<vmem>>, vector<32x256xf32>
      %jit3A_44 = arith.constant 32 : i32
      %div3A = vector.broadcast %jit3A_44 : i32 to vector<32x128xi32>
      %div3A_45 = arith.divsi %iota3A, %div3A : vector<32x128xi32>
      %sign3A = arith.constant 0 : i32
      %sign3A_46 = vector.broadcast %sign3A : i32 to vector<32x128xi32>
      %sign3A_47 = arith.cmpi sgt, %iota3A, %sign3A_46 : vector<32x128xi32>
      %sign3A_48 = arith.extui %sign3A_47 : vector<32x128xi1> to vector<32x128xi32>
      %sign3A_49 = arith.constant 0 : i32
      %sign3A_50 = vector.broadcast %sign3A_49 : i32 to vector<32x128xi32>
      %sign3A_51 = arith.cmpi slt, %iota3A, %sign3A_50 : vector<32x128xi32>
      %sign3A_52 = arith.extui %sign3A_51 : vector<32x128xi1> to vector<32x128xi32>
      %sign3A_53 = arith.subi %sign3A_48, %sign3A_52 : vector<32x128xi32>
      %sign3A_54 = arith.constant 0 : i32
      %sign3A_55 = arith.cmpi sgt, %jit3A_44, %sign3A_54 : i32
      %sign3A_56 = arith.extui %sign3A_55 : i1 to i32
      %sign3A_57 = arith.constant 0 : i32
      %sign3A_58 = arith.cmpi slt, %jit3A_44, %sign3A_57 : i32
      %sign3A_59 = arith.extui %sign3A_58 : i1 to i32
      %sign3A_60 = arith.subi %sign3A_56, %sign3A_59 : i32
      %ne3A_61 = vector.broadcast %sign3A_60 : i32 to vector<32x128xi32>
      %ne3A_62 = arith.cmpi ne, %sign3A_53, %ne3A_61 : vector<32x128xi32>
      %rem3A_63 = vector.broadcast %jit3A_44 : i32 to vector<32x128xi32>
      %rem3A_64 = arith.remsi %iota3A, %rem3A_63 : vector<32x128xi32>
      %ne3A_65 = arith.constant 0 : i32
      %ne3A_66 = vector.broadcast %ne3A_65 : i32 to vector<32x128xi32>
      %ne3A_67 = arith.cmpi ne, %rem3A_64, %ne3A_66 : vector<32x128xi32>
      %and3A_68 = arith.andi %ne3A_62, %ne3A_67 : vector<32x128xi1>
      %sub3A = arith.constant 1 : i32
      %sub3A_69 = vector.broadcast %sub3A : i32 to vector<32x128xi32>
      %sub3A_70 = arith.subi %div3A_45, %sub3A_69 : vector<32x128xi32>
      %select_n3A_71 = arith.select %and3A_68, %sub3A_70, %div3A_45 : vector<32x128xi1>, vector<32x128xi32>
      %add3A_72 = arith.constant 0 : i32
      %add3A_73 = vector.broadcast %add3A_72 : i32 to vector<32x128xi32>
      %add3A_74 = arith.addi %select_n3A_71, %add3A_73 : vector<32x128xi32>
      %eq3A_75 = arith.cmpi eq, %add3A_74, %iota3A_15 : vector<32x128xi32>
      %convert_element_type3A_76 = arith.extui %eq3A_75 : vector<32x128xi1> to vector<32x128xi32>
      %convert_element_type3A_77 = arith.sitofp %convert_element_type3A_76 : vector<32x128xi32> to vector<32x128xf32>
      %dot_general3A_78 = arith.constant dense<0.000000e+00> : vector<256x128xf32>
      %dot_general3A_79 = tpu.matmul %get3A_43, %convert_element_type3A_77, %dot_general3A_78 {dimension_numbers = #tpu.dot_dimension_numbers<[0], [0], [1], [1], [0, 1, 1, 1], [], []>, transpose_lhs_hint = false} : vector<32x256xf32>, vector<32x128xf32>, vector<256x128xf32> -> vector<256x128xf32>
      %jit3A_80 = arith.constant 32 : i32
      %div3A_81 = vector.broadcast %jit3A_80 : i32 to vector<32x128xi32>
      %div3A_82 = arith.divsi %iota3A, %div3A_81 : vector<32x128xi32>
      %sign3A_83 = arith.constant 0 : i32
      %sign3A_84 = vector.broadcast %sign3A_83 : i32 to vector<32x128xi32>
      %sign3A_85 = arith.cmpi sgt, %iota3A, %sign3A_84 : vector<32x128xi32>
      %sign3A_86 = arith.extui %sign3A_85 : vector<32x128xi1> to vector<32x128xi32>
      %sign3A_87 = arith.constant 0 : i32
      %sign3A_88 = vector.broadcast %sign3A_87 : i32 to vector<32x128xi32>
      %sign3A_89 = arith.cmpi slt, %iota3A, %sign3A_88 : vector<32x128xi32>
      %sign3A_90 = arith.extui %sign3A_89 : vector<32x128xi1> to vector<32x128xi32>
      %sign3A_91 = arith.subi %sign3A_86, %sign3A_90 : vector<32x128xi32>
      %sign3A_92 = arith.constant 0 : i32
      %sign3A_93 = arith.cmpi sgt, %jit3A_80, %sign3A_92 : i32
      %sign3A_94 = arith.extui %sign3A_93 : i1 to i32
      %sign3A_95 = arith.constant 0 : i32
      %sign3A_96 = arith.cmpi slt, %jit3A_80, %sign3A_95 : i32
      %sign3A_97 = arith.extui %sign3A_96 : i1 to i32
      %sign3A_98 = arith.subi %sign3A_94, %sign3A_97 : i32
      %ne3A_99 = vector.broadcast %sign3A_98 : i32 to vector<32x128xi32>
      %ne3A_100 = arith.cmpi ne, %sign3A_91, %ne3A_99 : vector<32x128xi32>
      %rem3A_101 = vector.broadcast %jit3A_80 : i32 to vector<32x128xi32>
      %rem3A_102 = arith.remsi %iota3A, %rem3A_101 : vector<32x128xi32>
      %ne3A_103 = arith.constant 0 : i32
      %ne3A_104 = vector.broadcast %ne3A_103 : i32 to vector<32x128xi32>
      %ne3A_105 = arith.cmpi ne, %rem3A_102, %ne3A_104 : vector<32x128xi32>
      %and3A_106 = arith.andi %ne3A_100, %ne3A_105 : vector<32x128xi1>
      %sub3A_107 = arith.constant 1 : i32
      %sub3A_108 = vector.broadcast %sub3A_107 : i32 to vector<32x128xi32>
      %sub3A_109 = arith.subi %div3A_82, %sub3A_108 : vector<32x128xi32>
      %select_n3A_110 = arith.select %and3A_106, %sub3A_109, %div3A_82 : vector<32x128xi1>, vector<32x128xi32>
      %add3A_111 = arith.constant 4 : i32
      %add3A_112 = vector.broadcast %add3A_111 : i32 to vector<32x128xi32>
      %add3A_113 = arith.addi %select_n3A_110, %add3A_112 : vector<32x128xi32>
      %eq3A_114 = arith.cmpi eq, %add3A_113, %iota3A_15 : vector<32x128xi32>
      %convert_element_type3A_115 = arith.extui %eq3A_114 : vector<32x128xi1> to vector<32x128xi32>
      %convert_element_type3A_116 = arith.sitofp %convert_element_type3A_115 : vector<32x128xi32> to vector<32x128xf32>
      %dot_general3A_117 = arith.constant dense<0.000000e+00> : vector<256x128xf32>
      %dot_general3A_118 = tpu.matmul %get3A_43, %convert_element_type3A_116, %dot_general3A_117 {dimension_numbers = #tpu.dot_dimension_numbers<[0], [0], [1], [1], [0, 1, 1, 1], [], []>, transpose_lhs_hint = false} : vector<32x256xf32>, vector<32x128xf32>, vector<256x128xf32> -> vector<256x128xf32>
      %jit3A_119 = arith.constant 32 : i32
      %div3A_120 = vector.broadcast %jit3A_119 : i32 to vector<32x128xi32>
      %div3A_121 = arith.divsi %iota3A, %div3A_120 : vector<32x128xi32>
      %sign3A_122 = arith.constant 0 : i32
      %sign3A_123 = vector.broadcast %sign3A_122 : i32 to vector<32x128xi32>
      %sign3A_124 = arith.cmpi sgt, %iota3A, %sign3A_123 : vector<32x128xi32>
      %sign3A_125 = arith.extui %sign3A_124 : vector<32x128xi1> to vector<32x128xi32>
      %sign3A_126 = arith.constant 0 : i32
      %sign3A_127 = vector.broadcast %sign3A_126 : i32 to vector<32x128xi32>
      %sign3A_128 = arith.cmpi slt, %iota3A, %sign3A_127 : vector<32x128xi32>
      %sign3A_129 = arith.extui %sign3A_128 : vector<32x128xi1> to vector<32x128xi32>
      %sign3A_130 = arith.subi %sign3A_125, %sign3A_129 : vector<32x128xi32>
      %sign3A_131 = arith.constant 0 : i32
      %sign3A_132 = arith.cmpi sgt, %jit3A_119, %sign3A_131 : i32
      %sign3A_133 = arith.extui %sign3A_132 : i1 to i32
      %sign3A_134 = arith.constant 0 : i32
      %sign3A_135 = arith.cmpi slt, %jit3A_119, %sign3A_134 : i32
      %sign3A_136 = arith.extui %sign3A_135 : i1 to i32
      %sign3A_137 = arith.subi %sign3A_133, %sign3A_136 : i32
      %ne3A_138 = vector.broadcast %sign3A_137 : i32 to vector<32x128xi32>
      %ne3A_139 = arith.cmpi ne, %sign3A_130, %ne3A_138 : vector<32x128xi32>
      %rem3A_140 = vector.broadcast %jit3A_119 : i32 to vector<32x128xi32>
      %rem3A_141 = arith.remsi %iota3A, %rem3A_140 : vector<32x128xi32>
      %ne3A_142 = arith.constant 0 : i32
      %ne3A_143 = vector.broadcast %ne3A_142 : i32 to vector<32x128xi32>
      %ne3A_144 = arith.cmpi ne, %rem3A_141, %ne3A_143 : vector<32x128xi32>
      %and3A_145 = arith.andi %ne3A_139, %ne3A_144 : vector<32x128xi1>
      %sub3A_146 = arith.constant 1 : i32
      %sub3A_147 = vector.broadcast %sub3A_146 : i32 to vector<32x128xi32>
      %sub3A_148 = arith.subi %div3A_121, %sub3A_147 : vector<32x128xi32>
      %select_n3A_149 = arith.select %and3A_145, %sub3A_148, %div3A_121 : vector<32x128xi1>, vector<32x128xi32>
      %add3A_150 = arith.constant 8 : i32
      %add3A_151 = vector.broadcast %add3A_150 : i32 to vector<32x128xi32>
      %add3A_152 = arith.addi %select_n3A_149, %add3A_151 : vector<32x128xi32>
      %eq3A_153 = arith.cmpi eq, %add3A_152, %iota3A_15 : vector<32x128xi32>
      %convert_element_type3A_154 = arith.extui %eq3A_153 : vector<32x128xi1> to vector<32x128xi32>
      %convert_element_type3A_155 = arith.sitofp %convert_element_type3A_154 : vector<32x128xi32> to vector<32x128xf32>
      %dot_general3A_156 = arith.constant dense<0.000000e+00> : vector<256x128xf32>
      %dot_general3A_157 = tpu.matmul %get3A_43, %convert_element_type3A_155, %dot_general3A_156 {dimension_numbers = #tpu.dot_dimension_numbers<[0], [0], [1], [1], [0, 1, 1, 1], [], []>, transpose_lhs_hint = false} : vector<32x256xf32>, vector<32x128xf32>, vector<256x128xf32> -> vector<256x128xf32>
      %jit3A_158 = arith.constant 32 : i32
      %div3A_159 = vector.broadcast %jit3A_158 : i32 to vector<32x128xi32>
      %div3A_160 = arith.divsi %iota3A, %div3A_159 : vector<32x128xi32>
      %sign3A_161 = arith.constant 0 : i32
      %sign3A_162 = vector.broadcast %sign3A_161 : i32 to vector<32x128xi32>
      %sign3A_163 = arith.cmpi sgt, %iota3A, %sign3A_162 : vector<32x128xi32>
      %sign3A_164 = arith.extui %sign3A_163 : vector<32x128xi1> to vector<32x128xi32>
      %sign3A_165 = arith.constant 0 : i32
      %sign3A_166 = vector.broadcast %sign3A_165 : i32 to vector<32x128xi32>
      %sign3A_167 = arith.cmpi slt, %iota3A, %sign3A_166 : vector<32x128xi32>
      %sign3A_168 = arith.extui %sign3A_167 : vector<32x128xi1> to vector<32x128xi32>
      %sign3A_169 = arith.subi %sign3A_164, %sign3A_168 : vector<32x128xi32>
      %sign3A_170 = arith.constant 0 : i32
      %sign3A_171 = arith.cmpi sgt, %jit3A_158, %sign3A_170 : i32
      %sign3A_172 = arith.extui %sign3A_171 : i1 to i32
      %sign3A_173 = arith.constant 0 : i32
      %sign3A_174 = arith.cmpi slt, %jit3A_158, %sign3A_173 : i32
      %sign3A_175 = arith.extui %sign3A_174 : i1 to i32
      %sign3A_176 = arith.subi %sign3A_172, %sign3A_175 : i32
      %ne3A_177 = vector.broadcast %sign3A_176 : i32 to vector<32x128xi32>
      %ne3A_178 = arith.cmpi ne, %sign3A_169, %ne3A_177 : vector<32x128xi32>
      %rem3A_179 = vector.broadcast %jit3A_158 : i32 to vector<32x128xi32>
      %rem3A_180 = arith.remsi %iota3A, %rem3A_179 : vector<32x128xi32>
      %ne3A_181 = arith.constant 0 : i32
      %ne3A_182 = vector.broadcast %ne3A_181 : i32 to vector<32x128xi32>
      %ne3A_183 = arith.cmpi ne, %rem3A_180, %ne3A_182 : vector<32x128xi32>
      %and3A_184 = arith.andi %ne3A_178, %ne3A_183 : vector<32x128xi1>
      %sub3A_185 = arith.constant 1 : i32
      %sub3A_186 = vector.broadcast %sub3A_185 : i32 to vector<32x128xi32>
      %sub3A_187 = arith.subi %div3A_160, %sub3A_186 : vector<32x128xi32>
      %select_n3A_188 = arith.select %and3A_184, %sub3A_187, %div3A_160 : vector<32x128xi1>, vector<32x128xi32>
      %add3A_189 = arith.constant 12 : i32
      %add3A_190 = vector.broadcast %add3A_189 : i32 to vector<32x128xi32>
      %add3A_191 = arith.addi %select_n3A_188, %add3A_190 : vector<32x128xi32>
      %eq3A_192 = arith.cmpi eq, %add3A_191, %iota3A_15 : vector<32x128xi32>
      %convert_element_type3A_193 = arith.extui %eq3A_192 : vector<32x128xi1> to vector<32x128xi32>
      %convert_element_type3A_194 = arith.sitofp %convert_element_type3A_193 : vector<32x128xi32> to vector<32x128xf32>
      %dot_general3A_195 = arith.constant dense<0.000000e+00> : vector<256x128xf32>
      %dot_general3A_196 = tpu.matmul %get3A_43, %convert_element_type3A_194, %dot_general3A_195 {dimension_numbers = #tpu.dot_dimension_numbers<[0], [0], [1], [1], [0, 1, 1, 1], [], []>, transpose_lhs_hint = false} : vector<32x256xf32>, vector<32x128xf32>, vector<256x128xf32> -> vector<256x128xf32>
      %jit3A_197 = arith.constant 32 : i32
      %div3A_198 = vector.broadcast %jit3A_197 : i32 to vector<32x128xi32>
      %div3A_199 = arith.divsi %iota3A, %div3A_198 : vector<32x128xi32>
      %sign3A_200 = arith.constant 0 : i32
      %sign3A_201 = vector.broadcast %sign3A_200 : i32 to vector<32x128xi32>
      %sign3A_202 = arith.cmpi sgt, %iota3A, %sign3A_201 : vector<32x128xi32>
      %sign3A_203 = arith.extui %sign3A_202 : vector<32x128xi1> to vector<32x128xi32>
      %sign3A_204 = arith.constant 0 : i32
      %sign3A_205 = vector.broadcast %sign3A_204 : i32 to vector<32x128xi32>
      %sign3A_206 = arith.cmpi slt, %iota3A, %sign3A_205 : vector<32x128xi32>
      %sign3A_207 = arith.extui %sign3A_206 : vector<32x128xi1> to vector<32x128xi32>
      %sign3A_208 = arith.subi %sign3A_203, %sign3A_207 : vector<32x128xi32>
      %sign3A_209 = arith.constant 0 : i32
      %sign3A_210 = arith.cmpi sgt, %jit3A_197, %sign3A_209 : i32
      %sign3A_211 = arith.extui %sign3A_210 : i1 to i32
      %sign3A_212 = arith.constant 0 : i32
      %sign3A_213 = arith.cmpi slt, %jit3A_197, %sign3A_212 : i32
      %sign3A_214 = arith.extui %sign3A_213 : i1 to i32
      %sign3A_215 = arith.subi %sign3A_211, %sign3A_214 : i32
      %ne3A_216 = vector.broadcast %sign3A_215 : i32 to vector<32x128xi32>
      %ne3A_217 = arith.cmpi ne, %sign3A_208, %ne3A_216 : vector<32x128xi32>
      %rem3A_218 = vector.broadcast %jit3A_197 : i32 to vector<32x128xi32>
      %rem3A_219 = arith.remsi %iota3A, %rem3A_218 : vector<32x128xi32>
      %ne3A_220 = arith.constant 0 : i32
      %ne3A_221 = vector.broadcast %ne3A_220 : i32 to vector<32x128xi32>
      %ne3A_222 = arith.cmpi ne, %rem3A_219, %ne3A_221 : vector<32x128xi32>
      %and3A_223 = arith.andi %ne3A_217, %ne3A_222 : vector<32x128xi1>
      %sub3A_224 = arith.constant 1 : i32
      %sub3A_225 = vector.broadcast %sub3A_224 : i32 to vector<32x128xi32>
      %sub3A_226 = arith.subi %div3A_199, %sub3A_225 : vector<32x128xi32>
      %select_n3A_227 = arith.select %and3A_223, %sub3A_226, %div3A_199 : vector<32x128xi1>, vector<32x128xi32>
      %add3A_228 = arith.constant 16 : i32
      %add3A_229 = vector.broadcast %add3A_228 : i32 to vector<32x128xi32>
      %add3A_230 = arith.addi %select_n3A_227, %add3A_229 : vector<32x128xi32>
      %eq3A_231 = arith.cmpi eq, %add3A_230, %iota3A_15 : vector<32x128xi32>
      %convert_element_type3A_232 = arith.extui %eq3A_231 : vector<32x128xi1> to vector<32x128xi32>
      %convert_element_type3A_233 = arith.sitofp %convert_element_type3A_232 : vector<32x128xi32> to vector<32x128xf32>
      %dot_general3A_234 = arith.constant dense<0.000000e+00> : vector<256x128xf32>
      %dot_general3A_235 = tpu.matmul %get3A_43, %convert_element_type3A_233, %dot_general3A_234 {dimension_numbers = #tpu.dot_dimension_numbers<[0], [0], [1], [1], [0, 1, 1, 1], [], []>, transpose_lhs_hint = false} : vector<32x256xf32>, vector<32x128xf32>, vector<256x128xf32> -> vector<256x128xf32>
      %jit3A_236 = arith.constant 32 : i32
      %div3A_237 = vector.broadcast %jit3A_236 : i32 to vector<32x128xi32>
      %div3A_238 = arith.divsi %iota3A, %div3A_237 : vector<32x128xi32>
      %sign3A_239 = arith.constant 0 : i32
      %sign3A_240 = vector.broadcast %sign3A_239 : i32 to vector<32x128xi32>
      %sign3A_241 = arith.cmpi sgt, %iota3A, %sign3A_240 : vector<32x128xi32>
      %sign3A_242 = arith.extui %sign3A_241 : vector<32x128xi1> to vector<32x128xi32>
      %sign3A_243 = arith.constant 0 : i32
      %sign3A_244 = vector.broadcast %sign3A_243 : i32 to vector<32x128xi32>
      %sign3A_245 = arith.cmpi slt, %iota3A, %sign3A_244 : vector<32x128xi32>
      %sign3A_246 = arith.extui %sign3A_245 : vector<32x128xi1> to vector<32x128xi32>
      %sign3A_247 = arith.subi %sign3A_242, %sign3A_246 : vector<32x128xi32>
      %sign3A_248 = arith.constant 0 : i32
      %sign3A_249 = arith.cmpi sgt, %jit3A_236, %sign3A_248 : i32
      %sign3A_250 = arith.extui %sign3A_249 : i1 to i32
      %sign3A_251 = arith.constant 0 : i32
      %sign3A_252 = arith.cmpi slt, %jit3A_236, %sign3A_251 : i32
      %sign3A_253 = arith.extui %sign3A_252 : i1 to i32
      %sign3A_254 = arith.subi %sign3A_250, %sign3A_253 : i32
      %ne3A_255 = vector.broadcast %sign3A_254 : i32 to vector<32x128xi32>
      %ne3A_256 = arith.cmpi ne, %sign3A_247, %ne3A_255 : vector<32x128xi32>
      %rem3A_257 = vector.broadcast %jit3A_236 : i32 to vector<32x128xi32>
      %rem3A_258 = arith.remsi %iota3A, %rem3A_257 : vector<32x128xi32>
      %ne3A_259 = arith.constant 0 : i32
      %ne3A_260 = vector.broadcast %ne3A_259 : i32 to vector<32x128xi32>
      %ne3A_261 = arith.cmpi ne, %rem3A_258, %ne3A_260 : vector<32x128xi32>
      %and3A_262 = arith.andi %ne3A_256, %ne3A_261 : vector<32x128xi1>
      %sub3A_263 = arith.constant 1 : i32
      %sub3A_264 = vector.broadcast %sub3A_263 : i32 to vector<32x128xi32>
      %sub3A_265 = arith.subi %div3A_238, %sub3A_264 : vector<32x128xi32>
      %select_n3A_266 = arith.select %and3A_262, %sub3A_265, %div3A_238 : vector<32x128xi1>, vector<32x128xi32>
      %add3A_267 = arith.constant 20 : i32
      %add3A_268 = vector.broadcast %add3A_267 : i32 to vector<32x128xi32>
      %add3A_269 = arith.addi %select_n3A_266, %add3A_268 : vector<32x128xi32>
      %eq3A_270 = arith.cmpi eq, %add3A_269, %iota3A_15 : vector<32x128xi32>
      %convert_element_type3A_271 = arith.extui %eq3A_270 : vector<32x128xi1> to vector<32x128xi32>
      %convert_element_type3A_272 = arith.sitofp %convert_element_type3A_271 : vector<32x128xi32> to vector<32x128xf32>
      %dot_general3A_273 = arith.constant dense<0.000000e+00> : vector<256x128xf32>
      %dot_general3A_274 = tpu.matmul %get3A_43, %convert_element_type3A_272, %dot_general3A_273 {dimension_numbers = #tpu.dot_dimension_numbers<[0], [0], [1], [1], [0, 1, 1, 1], [], []>, transpose_lhs_hint = false} : vector<32x256xf32>, vector<32x128xf32>, vector<256x128xf32> -> vector<256x128xf32>
      %jit3A_275 = arith.constant 32 : i32
      %div3A_276 = vector.broadcast %jit3A_275 : i32 to vector<32x128xi32>
      %div3A_277 = arith.divsi %iota3A, %div3A_276 : vector<32x128xi32>
      %sign3A_278 = arith.constant 0 : i32
      %sign3A_279 = vector.broadcast %sign3A_278 : i32 to vector<32x128xi32>
      %sign3A_280 = arith.cmpi sgt, %iota3A, %sign3A_279 : vector<32x128xi32>
      %sign3A_281 = arith.extui %sign3A_280 : vector<32x128xi1> to vector<32x128xi32>
      %sign3A_282 = arith.constant 0 : i32
      %sign3A_283 = vector.broadcast %sign3A_282 : i32 to vector<32x128xi32>
      %sign3A_284 = arith.cmpi slt, %iota3A, %sign3A_283 : vector<32x128xi32>
      %sign3A_285 = arith.extui %sign3A_284 : vector<32x128xi1> to vector<32x128xi32>
      %sign3A_286 = arith.subi %sign3A_281, %sign3A_285 : vector<32x128xi32>
      %sign3A_287 = arith.constant 0 : i32
      %sign3A_288 = arith.cmpi sgt, %jit3A_275, %sign3A_287 : i32
      %sign3A_289 = arith.extui %sign3A_288 : i1 to i32
      %sign3A_290 = arith.constant 0 : i32
      %sign3A_291 = arith.cmpi slt, %jit3A_275, %sign3A_290 : i32
      %sign3A_292 = arith.extui %sign3A_291 : i1 to i32
      %sign3A_293 = arith.subi %sign3A_289, %sign3A_292 : i32
      %ne3A_294 = vector.broadcast %sign3A_293 : i32 to vector<32x128xi32>
      %ne3A_295 = arith.cmpi ne, %sign3A_286, %ne3A_294 : vector<32x128xi32>
      %rem3A_296 = vector.broadcast %jit3A_275 : i32 to vector<32x128xi32>
      %rem3A_297 = arith.remsi %iota3A, %rem3A_296 : vector<32x128xi32>
      %ne3A_298 = arith.constant 0 : i32
      %ne3A_299 = vector.broadcast %ne3A_298 : i32 to vector<32x128xi32>
      %ne3A_300 = arith.cmpi ne, %rem3A_297, %ne3A_299 : vector<32x128xi32>
      %and3A_301 = arith.andi %ne3A_295, %ne3A_300 : vector<32x128xi1>
      %sub3A_302 = arith.constant 1 : i32
      %sub3A_303 = vector.broadcast %sub3A_302 : i32 to vector<32x128xi32>
      %sub3A_304 = arith.subi %div3A_277, %sub3A_303 : vector<32x128xi32>
      %select_n3A_305 = arith.select %and3A_301, %sub3A_304, %div3A_277 : vector<32x128xi1>, vector<32x128xi32>
      %add3A_306 = arith.constant 24 : i32
      %add3A_307 = vector.broadcast %add3A_306 : i32 to vector<32x128xi32>
      %add3A_308 = arith.addi %select_n3A_305, %add3A_307 : vector<32x128xi32>
      %eq3A_309 = arith.cmpi eq, %add3A_308, %iota3A_15 : vector<32x128xi32>
      %convert_element_type3A_310 = arith.extui %eq3A_309 : vector<32x128xi1> to vector<32x128xi32>
      %convert_element_type3A_311 = arith.sitofp %convert_element_type3A_310 : vector<32x128xi32> to vector<32x128xf32>
      %dot_general3A_312 = arith.constant dense<0.000000e+00> : vector<256x128xf32>
      %dot_general3A_313 = tpu.matmul %get3A_43, %convert_element_type3A_311, %dot_general3A_312 {dimension_numbers = #tpu.dot_dimension_numbers<[0], [0], [1], [1], [0, 1, 1, 1], [], []>, transpose_lhs_hint = false} : vector<32x256xf32>, vector<32x128xf32>, vector<256x128xf32> -> vector<256x128xf32>
      %jit3A_314 = arith.constant 32 : i32
      %div3A_315 = vector.broadcast %jit3A_314 : i32 to vector<32x128xi32>
      %div3A_316 = arith.divsi %iota3A, %div3A_315 : vector<32x128xi32>
      %sign3A_317 = arith.constant 0 : i32
      %sign3A_318 = vector.broadcast %sign3A_317 : i32 to vector<32x128xi32>
      %sign3A_319 = arith.cmpi sgt, %iota3A, %sign3A_318 : vector<32x128xi32>
      %sign3A_320 = arith.extui %sign3A_319 : vector<32x128xi1> to vector<32x128xi32>
      %sign3A_321 = arith.constant 0 : i32
      %sign3A_322 = vector.broadcast %sign3A_321 : i32 to vector<32x128xi32>
      %sign3A_323 = arith.cmpi slt, %iota3A, %sign3A_322 : vector<32x128xi32>
      %sign3A_324 = arith.extui %sign3A_323 : vector<32x128xi1> to vector<32x128xi32>
      %sign3A_325 = arith.subi %sign3A_320, %sign3A_324 : vector<32x128xi32>
      %sign3A_326 = arith.constant 0 : i32
      %sign3A_327 = arith.cmpi sgt, %jit3A_314, %sign3A_326 : i32
      %sign3A_328 = arith.extui %sign3A_327 : i1 to i32
      %sign3A_329 = arith.constant 0 : i32
      %sign3A_330 = arith.cmpi slt, %jit3A_314, %sign3A_329 : i32
      %sign3A_331 = arith.extui %sign3A_330 : i1 to i32
      %sign3A_332 = arith.subi %sign3A_328, %sign3A_331 : i32
      %ne3A_333 = vector.broadcast %sign3A_332 : i32 to vector<32x128xi32>
      %ne3A_334 = arith.cmpi ne, %sign3A_325, %ne3A_333 : vector<32x128xi32>
      %rem3A_335 = vector.broadcast %jit3A_314 : i32 to vector<32x128xi32>
      %rem3A_336 = arith.remsi %iota3A, %rem3A_335 : vector<32x128xi32>
      %ne3A_337 = arith.constant 0 : i32
      %ne3A_338 = vector.broadcast %ne3A_337 : i32 to vector<32x128xi32>
      %ne3A_339 = arith.cmpi ne, %rem3A_336, %ne3A_338 : vector<32x128xi32>
      %and3A_340 = arith.andi %ne3A_334, %ne3A_339 : vector<32x128xi1>
      %sub3A_341 = arith.constant 1 : i32
      %sub3A_342 = vector.broadcast %sub3A_341 : i32 to vector<32x128xi32>
      %sub3A_343 = arith.subi %div3A_316, %sub3A_342 : vector<32x128xi32>
      %select_n3A_344 = arith.select %and3A_340, %sub3A_343, %div3A_316 : vector<32x128xi1>, vector<32x128xi32>
      %add3A_345 = arith.constant 28 : i32
      %add3A_346 = vector.broadcast %add3A_345 : i32 to vector<32x128xi32>
      %add3A_347 = arith.addi %select_n3A_344, %add3A_346 : vector<32x128xi32>
      %eq3A_348 = arith.cmpi eq, %add3A_347, %iota3A_15 : vector<32x128xi32>
      %convert_element_type3A_349 = arith.extui %eq3A_348 : vector<32x128xi1> to vector<32x128xi32>
      %convert_element_type3A_350 = arith.sitofp %convert_element_type3A_349 : vector<32x128xi32> to vector<32x128xf32>
      %dot_general3A_351 = arith.constant dense<0.000000e+00> : vector<256x128xf32>
      %dot_general3A_352 = tpu.matmul %get3A_43, %convert_element_type3A_350, %dot_general3A_351 {dimension_numbers = #tpu.dot_dimension_numbers<[0], [0], [1], [1], [0, 1, 1, 1], [], []>, transpose_lhs_hint = false} : vector<32x256xf32>, vector<32x128xf32>, vector<256x128xf32> -> vector<256x128xf32>
      %broadcast_in_dim3A_353 = vector.shape_cast %dot_general3A_79 : vector<256x128xf32> to vector<256x1x128xf32>
      %broadcast_in_dim3A_354 = vector.shape_cast %dot_general3A_118 : vector<256x128xf32> to vector<256x1x128xf32>
      %broadcast_in_dim3A_355 = vector.shape_cast %dot_general3A_157 : vector<256x128xf32> to vector<256x1x128xf32>
      %broadcast_in_dim3A_356 = vector.shape_cast %dot_general3A_196 : vector<256x128xf32> to vector<256x1x128xf32>
      %broadcast_in_dim3A_357 = vector.shape_cast %dot_general3A_235 : vector<256x128xf32> to vector<256x1x128xf32>
      %broadcast_in_dim3A_358 = vector.shape_cast %dot_general3A_274 : vector<256x128xf32> to vector<256x1x128xf32>
      %broadcast_in_dim3A_359 = vector.shape_cast %dot_general3A_313 : vector<256x128xf32> to vector<256x1x128xf32>
      %broadcast_in_dim3A_360 = vector.shape_cast %dot_general3A_352 : vector<256x128xf32> to vector<256x1x128xf32>
      %concatenate3A_361 = tpu.concatenate %broadcast_in_dim3A_353, %broadcast_in_dim3A_354, %broadcast_in_dim3A_355, %broadcast_in_dim3A_356, %broadcast_in_dim3A_357, %broadcast_in_dim3A_358, %broadcast_in_dim3A_359, %broadcast_in_dim3A_360 in 1 : vector<256x1x128xf32>, vector<256x1x128xf32>, vector<256x1x128xf32>, vector<256x1x128xf32>, vector<256x1x128xf32>, vector<256x1x128xf32>, vector<256x1x128xf32>, vector<256x1x128xf32> -> vector<256x8x128xf32>
      %reshape3A_362 = vector.shape_cast %concatenate3A_361 : vector<256x8x128xf32> to vector<2048x128xf32>
      %concatenate3A_363 = tpu.concatenate %reshape3A, %reshape3A_362 in 0 : vector<2048x128xf32>, vector<2048x128xf32> -> vector<4096x128xf32>
      %swap3A_364 = arith.constant 0 : index
      %swap3A_365 = arith.constant 0 : index
      %swap3A_366 = vector.load %arg6[%swap3A_364, %swap3A_365] : memref<4096x128xf32, #tpu.memory_space<vmem>>, vector<4096x128xf32>
      tpu.vector_store %arg6[%swap3A_364, %swap3A_365], %concatenate3A_363 {strides = array<i32>} : memref<4096x128xf32, #tpu.memory_space<vmem>>, vector<4096x128xf32>,
    } else {
    }
    %get3A = arith.constant 0 : index
    %get3A_2 = arith.constant 0 : index
    %get3A_3 = vector.load %arg6[%get3A, %get3A_2] : memref<4096x128xf32, #tpu.memory_space<vmem>>, vector<4096x128xf32>
    %broadcast_in_dim3A = vector.shape_cast %get3A_3 : vector<4096x128xf32> to vector<1x4096x128xf32>
    %swap3A = arith.constant 0 : index
    %swap3A_4 = arith.constant 0 : index
    %swap3A_5 = arith.constant 0 : index
    %swap3A_6 = vector.load %arg5[%swap3A, %swap3A_4, %swap3A_5] : memref<1x4096x128xf32, #tpu.memory_space<vmem>>, vector<1x4096x128xf32>
    tpu.vector_store %arg5[%swap3A, %swap3A_4, %swap3A_5], %broadcast_in_dim3A {strides = array<i32>} : memref<1x4096x128xf32, #tpu.memory_space<vmem>>, vector<1x4096x128xf32>,
    return
  }
  func.func @transform_0(%arg0: i32) -> (i32, i32) {
    %c0_i32 = arith.constant 0 : i32
    %c0_i32_0 = arith.constant 0 : i32
    %c0_i32_1 = arith.constant 0 : i32
    return %c0_i32, %c0_i32_0 : i32, i32
  }
  func.func @transform_1(%arg0: i32) -> (i32, i32) {
    %c0_i32 = arith.constant 0 : i32
    %c0_i32_0 = arith.constant 0 : i32
    %c0_i32_1 = arith.constant 0 : i32
    return %c0_i32, %c0_i32_0 : i32, i32
  }
  func.func @transform_2(%arg0: i32) -> (i32, i32) {
    %c0_i32 = arith.constant 0 : i32
    %c0_i32_0 = arith.constant 0 : i32
    %c0_i32_1 = arith.constant 0 : i32
    return %c0_i32, %c0_i32_0 : i32, i32
  }
  func.func @transform_3(%arg0: i32) -> (i32, i32) {
    %c0_i32 = arith.constant 0 : i32
    %c0_i32_0 = arith.constant 0 : i32
    %c0_i32_1 = arith.constant 0 : i32
    return %c0_i32, %c0_i32_0 : i32, i32
  }
  func.func @transform_4(%arg0: i32) -> (i32, i32, i32) {
    %c0_i32 = arith.constant 0 : i32
    %c0_i32_0 = arith.constant 0 : i32
    %c0_i32_1 = arith.constant 0 : i32
    return %arg0, %c0_i32, %c0_i32_0 : i32, i32, i32
  }
}

</mosaic_0001>

<sc_bundles>
// kernel: sparse-core-data-format-call.cloned.1.call-start
scs
called_computation_lowered:
.L_overlay_start_0:
0x0: {  	s2 =	sld [smem:$0x3FD9]  }
0x1: {  	s3 =	sld [smem:$0x3FFE];
	_ =	sdelay $0x1  }
0x2: {  	s1 =	srdreg.scid  }
0x3: {  	s0 =	sand.u32 $0x1, s1  }
0x4: {  	s15 =	sshll.u32 s0, $0xA;
	s2 =	sadd.s32 s3, s2  }
0x5: {  	s2 =	sadd.s32 s2, s15  }
0x6: {  	[smem:$0x3FC5] =	sst s2  }
0x7: {  	_ = 	snop  }
0x8: {  	s2 =	sld [smem:$0x3FD0];
	_ =	sdelay $0x2  }
0x9: {  	s16 =	simm.s32 $0xA;
	s4 =	simm.s32 $0x10  }
0xa: {  	[smem:s4], [sflag:s16] =	dma.local [hbm:s2], $0x1  }
0xb: {  	_ =	swait.eq [sflag:s16], $0x1  }
0xc: {  	[sflag:s16] =	ssyncset.done $0x0  }
0xd: {  	[sflag:s16] =	ssyncadd.s32 $0xFFFFFFFF  }
0xe: {  	s17 =	sld [smem:$0x11];
	(tm) =	ssettm $0x1  }
0xf: {  	s18 =	sld [smem:$0x3FFB];
	_ =	sdelay $0x3  }
0x10: {  	_ =	strace s18  }
0x11: {  	s3 =	sld [smem:$0x3FFC];
	_ =	sdelay $0x3  }
0x12: {  	_ =	strace s3  }
0x13: {  	s3 =	sld [smem:$0x3FFD];
	_ =	sdelay $0x3  }
0x14: {  	_ =	strace s3  }
0x15: {  	_ =	strace $0x8FFFFFFF  }
0x16: {  	s19 =	sld [smem:$0x3FDB];
	_ =	sdelay $0x1  }
0x17: {  	s20 =	simm.s32 $_scs_section_size  }
0x18: {  	s5 =	simm.s32 $_size__tile_overlayer_lowered;
	s6 =	simm.s32 $_tile_overlayer_lowered  }
0x19: {  	s23 =	simm.s32 $0x1BFF;
	s22 =	sshll.u32 s6, $0x1;
	s3 =	sadd.s32 s20, s19  }
0x1a: {  	s7 =	simm.s32 $0x0;
	s21 =	sshll.u32 s5, $0x1;
	s5 =	sadd.s32 s22, s3  }
0x1b: {  	[timem:s7], [sflag:s23] =	dma.local [hbm:s5], s21  }
0x1c: {  	_ =	swait.ge [sflag:s23], s21  }
0x1d: {  	s4 =	ssub.s32 $0x0, s21;
	[sflag:s23] =	ssyncset.done $0x0  }
0x1e: {  	[sflag:s23] =	ssyncadd.s32 s4;
	_ =	sdelay $0x1  }
0x1f: {  	s24 =	simm.s32 $0x1B8B  }
0x20: {  	_ =	swait.ge [sflag:s24], $0x1  }
0x21: {  	[sflag:s24] =	ssyncset.done $0x0  }
0x22: {  	s26 =	simm.s32 $0x1B8E;
	s25 =	sld [smem:$0x3FFE];
	[sflag:s24] =	ssyncadd.s32 $0xFFFFFFFF  }
0x23: {  	s27 =	simm.s32 $execute0_lowered;
	[smem:$0x3FD2] =	sst s26  }
0x24: {  	s5 =	sshll.u32 s27, $0x1;
	_ =	strace $0x80000046;
	[dreg:$0x1] =	wrdreg $0xFFFFFFFF  }
0x25: {  	s28 =	simm.s32 $_size_execute0_lowered;
	s3 =	sadd.s32 s3, s5;
	[dreg:$0x0] =	wrdreg $0x0  }
0x26: {  	s5 =	sshll.u32 s28, $0x1;
	[dreg:$0x2] =	wrdreg s3  }
0x27: {  	[dreg:$0x3] =	wrdreg s5  }
0x28: {  	[dreg:$0x4] =	wrdreg $0xC0  }
0x29: {  	_ =	task [dreg:s7], $0x5FFFF  }
0x2a: {  	[dreg:$0x1] =	wrdreg $0xFFFFFFFF  }
0x2b: {  	[dreg:$0x0] =	wrdreg $0x60  }
0x2c: {  	[dreg:$0x2] =	wrdreg s25  }
0x2d: {  	[dreg:$0x3] =	wrdreg s17  }
0x2e: {  	[dreg:$0x4] =	wrdreg $0x9  }
0x2f: {  	_ =	task.clear_ibuf [dreg:s7], $0x5FFFF;
	_ =	strace $0x90000046  }
0x30: {  	s29 =	simm.s32 $0x9;
	_ =	strace $0x80000048  }
0x31: {  	_ =	swait.ge [sflag:s29], $0x1  }
0x32: {  	[sflag:s29] =	ssyncadd.s32 $0xFFFFFFFF  }
0x33: {  	_ =	strace $0x90000048  }
0x34: {  	_ =	sfence  }
0x35: {  	s30 =	sld [smem:$0x0];
	_ =	sdelay $0x2  }
0x36: {  	s31 =	sshll.u32 s1, $0xD;
	s1 =	sshrl.u32 s1, $0x2  }
0x37: {  	s3 =	sand.u32 $0x4000, s31;
	s1 =	sadd.s32 s1, s30  }
0x38: {  	s0 =	sor.u32 s3, s0;
	s1 =	sshll.u32 s1, $0x11  }
0x39: {  	s0 =	sor.u32 s1, s0  }
0x3a: {  	s0 =	sadd.s32 $0x8F2B, s0  }
0x3b: {  	[sflag:s0] =	ssyncadd.remote.s32 $0x1  }
0x3c: {  	_ =	sfence.sel $0xFFFF  }
0x3d: {  	[dreg:$0x0] =	wrdreg $0xFFFFFFFF;
	(pc) =	sbr.abs _section_cstart, $3  }
0x3e: {  	[dreg:$0x1] =	wrdreg $0xFFFFFFFF  }
0x3f: {  	_ =	task.clear_ibuf [dreg:s7], $0x2FFFF;
	_ =	strace $0x9FFFFFFF  }
0x40: {  	(tm) =	ssettm $0x7FFFFFFF  }
0x41: {  	_ =	shalt  }
tec
execute0_lowered:
.L_overlay_start_1:
0x0: {  	(tag) =	ssettag $0x1  }
0x1: {  	s3 =	rddreg [dreg:$0x0]  }
0x2: {  	s0 =	srdreg.scid;
	s1 =	rddreg [dreg:$0x1]  }
0x3: {  	s5 =	simm.s32 $0x1;
	s7 =	simm.s32 $0x2;
	s13 =	simm.s32 $0x0  }
0x4: {  	p0 =	por $0x0, $0x0;
	s8 =	simm.s32 $0x1000;
	s0 =	sshll.u32 s0, $0x7  }
0x5: {  	s14 =	simm.s32 $0x0;
	s15 =	simm.s32 $0x0;
	s2 =	sand.u32 $0x80, s0  }
0x6: {  	s9 =	simm.s32 $0x0;
	s11 =	stileid.u32;
	s6 =	ssub.s32 $0x200, s2  }
.Ltmp0:
0x7: {  	s12 =	simm.s32 $0x0;
	s31 =	sshrl.u32 s6, $0x7;
	(pc) =	sbr.rel .LBB1_1-.Ltmp0, $4  }
0x8: {  	s4 =	sadd.s32 $0xC00, s3;
	s6 =	sshrl.u32 s6, $0x8;
	s3 =	sand.u32 $0x1, s31  }
0x9: {  	s0 =	rddreg [dreg:$0x2];
	_ =	strace $0x80000047;
	s6 =	sadd.s32 s6, s3  }
0xa: {  	[sflag:s5] =	ssyncpa.u1 $0x0;
	s10 =	smov.u32 s2;
	s6 =	sshll.u32 s6, $0x5  }
0xb: {  	[sflag:s7] =	ssyncpa.u1 $0x0;
	s3 =	stileid.u32;
	s7 =	sor.u32 $0x1, s6  }
.LBB1_4:
0xc: {  	s15 =	sshll.u32 s15, $0x10  }
0xd: {  	s18 =	sand.u32 $0x780, s14;
	s13 =	sshll.u32 s13, $0xB;
	s15 =	sadd.s32 s1, s15  }
0xe: {  	s19 =	sshrl.u32 s14, $0x3;
	s30 =	sand.u32 $0x7, s14;
	s15 =	sadd.s32 s18, s15  }
0xf: {  	s31 =	sand.u32 $0xF, s19;
	s14 =	sshll.u32 s30, $0x12;
	s13 =	sadd.s32 s13, s15  }
0x10: {  	[tilespmem:s17+$0x0 ss:$0x81] =	vst.msk $0xffff, v0;
	s14 =	sor.u32 $0x400, s14;
	s13 =	sadd.s32 s31, s13  }
0x11: {  	[hbm4b:s13+s14] =	stream.strided.scatter [tilespmem:s16], [sflag:$0x2], $0x1000, s8, s14, $0x20;
	[tilespmem:$0x4040] =	vst v63  }
.LBB1_5:
0x12: {  	s16 =	sadd.s32 $0x1, s9  }
0x13: {  	s13 =	sadd.s32 $0x100, s10;
	s17 =	smov.u32 s10;
	p2 =	sgt.s32 s16, $0x1F  }
0x14: {  	s17 =	smov.u32 @p2 s13  }
0x15: {  	s19 =	smov.u32 s11;
	s13 =	sadd.s32 $0x10, s11;
	p3 =	sgt.s32 s17, $0x1FF  }
0x16: {  	s19 =	smov.u32 @p3 s13  }
0x17: {  	s16 =	simm.s32 @p2 $0x0;
	p2 =	sgt.s32 s19, $0xF  }
0x18: {  	p1 =	slt.u32 s12, $0x2;
	s19 =	smov.u32 @p2 s3;
	p2 =	sne.s32 s12, s7  }
.Ltmp1:
0x19: {  	s18 =	simm.s32 @!p1 $0x2;
	(pc) =	sbr.rel @!p2 .LBB1_6-.Ltmp1, $4  }
0x1a: {  	s14 =	smov.u32 s10;
	s15 =	smov.u32 s11;
	_ =	swait.ge @!p1 [sflag:s18], $0x1000  }
0x1b: {  	p0 =	por !p0, !p0;
	[sflag:s18] =	ssyncset.done @!p1 $0x0;
	s17 =	smov.u32 @p3 s2  }
0x1c: {  	s13 =	smov.u32 s9;
	[sflag:s18] =	ssyncadd.s32 @!p1 $0xFFFFF000;
	s9 =	smov.u32 s16  }
0x1d: {  	s10 =	smov.u32 s17;
	s12 =	sadd.s32 $0x1, s12;
	s11 =	smov.u32 s19  }
.LBB1_1:
0x1e: {  	p1 =	sge.u32 s12, s6;
	s31 =	sadd.s32 $0xFFFFFFFF, s12  }
0x1f: {  	s16 =	sxor.u32 @!p1 $0xFFFFFFFF, s12;
	s17 =	sshll.u32 @!p1 s11, $0x12;
	s18 =	sshll.u32 @!p1 s10, $0x9  }
0x20: {  	s19 =	sshll.u32 @!p1 s9, $0x4;
	s16 =	sshll.u32 @!p1 s16, $0xC;
	s17 =	sadd.s32 @!p1 s4, s17  }
0x21: {  	s19 =	sand.u32 @!p1 $0x1F0, s19;
	s16 =	sand.u32 @!p1 $0x1000, s16;
	s17 =	sadd.s32 @!p1 s18, s17  }
0x22: {  	s18 =	simm.s32 @!p1 $0x20;
	s17 =	sadd.s32 @!p1 s19, s17;
	s19 =	simm.s32 @!p1 $0x1000  }
0x23: {  	[tilespmem:s16], [sflag:$0x1] =	stream.strided.gather @!p1 [hbm4b:s17+s18], $0x1000, s19, s18, $0x38;
	[tilespmem:$0x4040] =	vst v63  }
0x24: {  	p1 =	sge.u32 s31, s6  }
.Ltmp2:
0x25: {  	_ = 	snop;
	(pc) =	sbr.rel @p1 .LBB1_5-.Ltmp2, $1  }
0x26: {  	_ =	sdelay $0x3  }
0x27: {  	s16 =	simm.s32 $0x1  }
0x28: {  	_ =	swait.ge [sflag:s5], $0x1000;
	s16 =	simm.s32 @!p0 $0x0  }
0x29: {  	[sflag:s5] =	ssyncset.done $0x0;
	s17 =	sshll.u32 s16, $0xC  }
0x2a: {  	[sflag:s5] =	ssyncadd.s32 $0xFFFFF000;
	s20 =	sor.u32 $0x10, s17  }
0x2b: {  	s16 =	smul.u32 $0x4080, s16;
	v1 =	vld [tilespmem:s20+$0x0]  }
0x2c: {  	s30 =	sand.u32 $0x1, s12;
	v0 =	vld [tilespmem:s20+$0xFFFFFFF0]  }
0x2d: {  	s17 =	smul.u32 $0x4080, s30;
	s16 =	sshrl.u32 s16, $0x2  }
0x2e: {  	s18 =	sor.u32 $0x2000, s16  }
0x2f: {  	s31 =	sshrl.u32 s17, $0x2;
	s17 =	sadd.s32 $0x0, s18  }
0x30: {  	s19 =	simm.s32 $0x4;
	s20 =	sadd.s32 $0x20, s20;
	s16 =	sor.u32 $0x2000, s31;
	[tilespmem:s17+$0x810 ss:$0x81] =	vst.msk $0xffff, v1  }
.LBB1_3:
0x31: {  	v1 =	vld [tilespmem:s20+$0x0];
	p1 =	sne.s32 s19, $0x1FC;
	[tilespmem:s17+$0x0 ss:$0x81] =	vst.msk $0xffff, v0;
	s17 =	smov.u32 s19;
	s19 =	sadd.s32 $0x4, s19  }
.Ltmp3:
0x32: {  	v0 =	vld [tilespmem:s20+$0xFFFFFFF0];
	(pc) =	sbr.rel @p1 .LBB1_3-.Ltmp3, $4  }
0x33: {  	_ = 	snop  }
0x34: {  	s17 =	sshra.s32 s17, $0x2  }
0x35: {  	s17 =	sadd.s32 s17, s18  }
0x36: {  	s20 =	sadd.s32 $0x20, s20;
	[tilespmem:s17+$0x810 ss:$0x81] =	vst.msk $0xffff, v1  }
.Ltmp4:
0x37: {  	_ = 	snop;
	(pc) =	sbr.rel .LBB1_4-.Ltmp4, $1  }
0x38: {  	_ =	sdelay $0x3  }
.LBB1_6:
0x39: {  	_ =	sfence.sel $0x180000  }
0x3a: {  	s1 =	simm.s32 $0x1;
	[bflag:$0x0] =	sbarrier.arrive $0xFFFF  }
0x3b: {  	s31 =	simm.s32 $0x2;
	[sflag:s1] =	ssyncpa.u1 $0x1  }
0x3c: {  	[sflag:s31] =	ssyncpa.u1 $0x1  }
0x3d: {  	p0 =	sne.s32 s3, $0x0;
	_ =	strace $0x90000047  }
0x3e: {  	s0 =	sadd.s32 @!p0 $0x100000, s0;
	[bflag:$0x2] =	sbarrier.arrive $0xFFFF  }
0x3f: {  	[sflag:s0] =	ssyncadd.tile.s32 @!p0 $0x1;
	_ =	shalt  }
.Lfunc_end1:
_tile_overlayer_lowered:
.L_overlay_start_2:
0x40: {  	(tag) =	ssettag $0x2  }
0x41: {  	s0 =	rddreg [dreg:$0x0];
	s2 =	stileid.u32  }
0x42: {  	s1 =	rddreg [dreg:$0x1];
	p0 =	sne.s32 s2, $0x0  }
0x43: {  	s3 =	rddreg [dreg:$0x2];
	[bflag:$0x3] =	sbarrier.arrive $0xFFFF;
	s2 =	simm.s32 @!p0 $0x1C01  }
0x44: {  	[timem:s3], [sflag:s2] =	dma.local @!p0 [hbm:s0], s1  }
0x45: {  	s0 =	simm.s32 @!p0 $0x1  }
0x46: {  	_ =	swait.ge @!p0 [sflag:s0], s1  }
0x47: {  	s1 =	ssub.s32 @!p0 $0x0, s1;
	[sflag:s0] =	ssyncset.done @!p0 $0x0  }
0x48: {  	[sflag:s0] =	ssyncadd.s32 @!p0 s1  }
0x49: {  	[bflag:$0x3] =	sbarrier.arrive $0xFFFF  }
0x4a: {  	_ =	shalt  }

</sc_bundles>
